<compile_context>
chip_gen: v7x
topology: tpu7x:2x2x1
jax: 0.10.2.dev20260603
libtpu: 0.0.44.dev20260713+nightly
codegen_flags: <defaults>
</compile_context>

<pallas_src>
import functools

import jax
import jax.numpy as jnp
from jax import lax
from jax.experimental import pallas as pl
from jax.experimental.pallas import tpu as pltpu

N = 50000
D = 512
EPS_SUM = 1e-8
EPS_DIST = 1e-6

BR = 5000
G = N // BR

BRM = 10000
GM = N // BRM


def _colsum_body(x_ref, out_ref):
    @pl.when(pl.program_id(0) == 0)
    def _():
        out_ref[...] = jnp.zeros_like(out_ref)

    blk = x_ref[...]
    out_ref[...] += blk.reshape(BR // 8, 8, D).sum(axis=0)


_colsum_call = pl.pallas_call(
    _colsum_body,
    grid=(G,),
    in_specs=[pl.BlockSpec((BR, D), lambda i: (i, 0))],
    out_specs=pl.BlockSpec((8, D), lambda i: (0, 0)),
    out_shape=jax.ShapeDtypeStruct((8, D), jnp.float32),
)


def _dist_body(cs_ref, x_ref, idx_ref, run_min, run_idx):
    i = pl.program_id(0)
    s = cs_ref[...].sum(axis=0)
    total = jnp.sum(s) + jnp.float32(EPS_SUM)
    b = s / total - jnp.float32(EPS_DIST)

    d = x_ref[...] - b[None, :]
    dsq = d * d
    ones = jnp.ones((D, 1), jnp.float32)
    dist = jax.lax.dot_general(
        dsq, ones, (((1,), (0,)), ((), ())),
        preferred_element_type=jnp.float32,
    )
    m = jnp.min(dist)
    big = jnp.int32(jnp.iinfo(jnp.int32).max)
    rows = lax.broadcasted_iota(jnp.int32, (BR, 1), 0) + i * BR
    bidx = jnp.min(jnp.where(dist == m, rows, big))

    @pl.when(i == 0)
    def _():
        run_min[0] = m
        run_idx[0] = bidx

    @pl.when(i > 0)
    def _():
        better = m < run_min[0]
        run_min[0] = jnp.where(better, m, run_min[0])
        run_idx[0] = jnp.where(better, bidx, run_idx[0])

    @pl.when(i == G - 1)
    def _():
        idx_ref[0, 0] = run_idx[0]


_dist_call = pl.pallas_call(
    _dist_body,
    grid=(G,),
    in_specs=[
        pl.BlockSpec((8, D), lambda i: (0, 0)),
        pl.BlockSpec((BR, D), lambda i: (i, 0)),
    ],
    out_specs=pl.BlockSpec(memory_space=pltpu.SMEM),
    out_shape=jax.ShapeDtypeStruct((1, 1), jnp.int32),
    scratch_shapes=[pltpu.SMEM((1,), jnp.float32), pltpu.SMEM((1,), jnp.int32)],
)


from jax.experimental.pallas import tpu_sc as plsc

NC, NS = 2, 16
NW = NC * NS
RW_A = 1568
RW_B = 1560

_mesh = plsc.VectorSubcoreMesh(
    core_axis_name="c", subcore_axis_name="s", num_cores=NC, num_subcores=NS
)
_sc_params = pltpu.CompilerParams(needs_layout_passes=False)


@functools.partial(
    pl.kernel,
    out_type=jax.ShapeDtypeStruct((N, D), jnp.bool_),
    mesh=_mesh,
    compiler_params=_sc_params,
    scratch_types=[pltpu.VMEM((1, 16), jnp.int32)],
)
def _scmask_kernel(zrow_hbm, eye8_hbm, idx_hbm, mask_hbm, idx_vmem):
    wid = lax.axis_index("s") * NC + lax.axis_index("c")
    pltpu.sync_copy(idx_hbm, idx_vmem)
    idx = idx_vmem[0, :][0]
    base = pl.multiple_of(
        jnp.where(wid < 10, wid * RW_A, 10 * RW_A + (wid - 10) * RW_B), 8
    )

    @pl.when(wid < 10)
    def _():
        pltpu.sync_copy(
            zrow_hbm.at[pl.ds(0, RW_A)], mask_hbm.at[pl.ds(base, RW_A)]
        )

    @pl.when(wid >= 10)
    def _():
        pltpu.sync_copy(
            zrow_hbm.at[pl.ds(0, RW_B)], mask_hbm.at[pl.ds(base, RW_B)]
        )

    nrows = jnp.where(wid < 10, RW_A, RW_B)

    @pl.when((idx >= base) & (idx < base + nrows))
    def _():
        blk = pl.multiple_of((idx // 8) * 8, 8)
        pltpu.sync_copy(eye8_hbm.at[idx % 8], mask_hbm.at[pl.ds(blk, 8)])


def kernel(weighted_features):
    cs = _colsum_call(weighted_features)
    idx = _dist_call(cs, weighted_features)
    zrow = jnp.zeros((RW_A, D), jnp.bool_)
    eye8 = jnp.broadcast_to(jnp.eye(8, dtype=jnp.bool_)[:, :, None], (8, 8, D))
    idx16 = jnp.broadcast_to(idx, (1, 16))
    return _scmask_kernel(zrow, eye8, idx16)

# --- scband reference (transcript-rebuilt; emitter-appended) ---
"""Pipeline reference for scband-discrete-mean-center-44813688767183 (READ-ONLY COPY).

The authoritative reference and input builder live on the scoring server;
editing this copy changes nothing except your own understanding.
"""

import jax, jax.numpy as jnp
import numpy as np


def setup_inputs(seed: int = 0) -> dict:
    key = jax.random.key(seed)
    weighted_features = jax.random.uniform(key, (50000, 512), dtype=jnp.float32)
    return {"weighted_features": weighted_features}


def reference(weighted_features):
    epsilon = 1e-08
    mask_sum = jnp.sum(weighted_features) + epsilon
    center = jnp.sum(weighted_features, axis=0) / mask_sum
    # torch.nn.PairwiseDistance(p=2) with default eps=1e-6: ||x1 - x2 + eps||_2
    diff = weighted_features - center[None, :] + 1e-06
    distances = jnp.sqrt(jnp.sum(diff * diff, axis=1))
    closest_node_idx = jnp.argmin(distances)
    center_mask = jnp.zeros(weighted_features.shape, dtype=jnp.bool_)
    # torch: center_mask[closest_node_idx] = 1 sets the entire row
    center_mask = center_mask.at[closest_node_idx].set(True)
    return center_mask

if __name__ == "__main__":
    import jax
    _d = setup_inputs()
    print(jax.jit(kernel)(*tuple(_d.values())))

</pallas_src>

<mosaic_0001>
#map = affine_map<(d0, d1) -> (0, 0)>
#map1 = affine_map<(d0, d1) -> (0, 0, 0)>
module attributes {stable_mosaic.version = 14 : i64} {
  func.func @_scmask_kernel(%arg0: i32, %arg1: i32, %arg2: memref<1568x512xi32, #tpu.memory_space<hbm>>, %arg3: memref<8x8x512xi32, #tpu.memory_space<hbm>>, %arg4: memref<1x16xi32, #tpu.memory_space<hbm>>, %arg5: memref<50000x512xi32, #tpu.memory_space<hbm>>, %arg6: memref<1x16xi32, #tpu.memory_space<vmem>>) attributes {dimension_semantics = [#tpu.dimension_semantics<core_parallel>, #tpu.dimension_semantics<subcore_parallel>], iteration_bounds = array<i64: 2, 16>, scalar_prefetch = 0 : i64, scratch_operands = 1 : i64, tpu.core_type = #tpu.core_type<sc_vector_subcore>, window_params = [{transform_indices = #map}, {transform_indices = #map1}, {transform_indices = #map}, {transform_indices = #map}]} {
    %mul3A = arith.constant 2 : i32
    %mul3A_0 = arith.muli %arg1, %mul3A : i32
    %add3A = arith.addi %mul3A_0, %arg0 : i32
    "tpu.region"() ({
      %run_scoped3A = tpu.sem_alloc : memref<!tpu.dma_semaphore, #tpu.memory_space<semaphore_mem>>
      tpu.enqueue_dma source(%arg4 : memref<1x16xi32, #tpu.memory_space<hbm>>) target(%arg6 : memref<1x16xi32, #tpu.memory_space<vmem>>) target_semaphore(%run_scoped3A : memref<!tpu.dma_semaphore, #tpu.memory_space<semaphore_mem>>)
      tpu.wait_dma2 semaphore(%run_scoped3A : memref<!tpu.dma_semaphore, #tpu.memory_space<semaphore_mem>>) src(%arg4 : memref<1x16xi32, #tpu.memory_space<hbm>>) dst(%arg6 : memref<1x16xi32, #tpu.memory_space<vmem>>)
      tpu.yield
    }) : () -> ()
    %get3A = arith.constant 0 : i32
    %get3A_1 = arith.index_cast %get3A : i32 to index
    %get3A_2 = arith.constant 0 : index
    %get3A_3 = tpu.vector_load %arg6[%get3A_1, %get3A_2] {strides = array<i32>} : memref<1x16xi32, #tpu.memory_space<vmem>>, vector<16xi32>,
    %slice3A = vector.extract_strided_slice %get3A_3 {offsets = [0], sizes = [1], strides = [1]} : vector<16xi32> to vector<1xi32>
    %squeeze3A = vector.extract %slice3A[0] : i32 from vector<1xi32>
    %lt3A = arith.constant 10 : i32
    %lt3A_4 = arith.cmpi slt, %add3A, %lt3A : i32
    %mul3A_5 = arith.constant 1568 : i32
    %mul3A_6 = arith.muli %add3A, %mul3A_5 : i32
    %sub3A = arith.constant 10 : i32
    %sub3A_7 = arith.subi %add3A, %sub3A : i32
    %mul3A_8 = arith.constant 1560 : i32
    %mul3A_9 = arith.muli %sub3A_7, %mul3A_8 : i32
    %add3A_10 = arith.constant 15680 : i32
    %add3A_11 = arith.addi %add3A_10, %mul3A_9 : i32
    %select_n3A = arith.select %lt3A_4, %mul3A_6, %add3A_11 : i32
    %multiple_of3A = tpu.assume_multiple %select_n3A, 8 : i32
    %lt3A_12 = arith.constant 10 : i32
    %lt3A_13 = arith.cmpi slt, %add3A, %lt3A_12 : i32
    %convert_element_type3A = arith.extui %lt3A_13 : i1 to i32
    %cond3A = arith.constant 0 : i32
    %cond3A_14 = arith.cmpi ne, %convert_element_type3A, %cond3A : i32
    scf.if %cond3A_14 {
      "tpu.region"() ({
        %run_scoped3A = tpu.sem_alloc : memref<!tpu.dma_semaphore, #tpu.memory_space<semaphore_mem>>
        %dma_start3A = arith.constant 0 : i32
        %dma_start3A_29 = tpu.memref_slice %arg5[%multiple_of3A, %dma_start3A] : memref<50000x512xi32, #tpu.memory_space<hbm>> -> memref<1568x512xi32, #tpu.memory_space<hbm>>
        %dma_start3A_30 = arith.constant 0 : i32
        %dma_start3A_31 = arith.constant 0 : i32
        %dma_start3A_32 = tpu.memref_slice %arg2[%dma_start3A_30, %dma_start3A_31] : memref<1568x512xi32, #tpu.memory_space<hbm>> -> memref<1568x512xi32, #tpu.memory_space<hbm>>
        tpu.enqueue_dma source(%dma_start3A_32 : memref<1568x512xi32, #tpu.memory_space<hbm>>) target(%dma_start3A_29 : memref<1568x512xi32, #tpu.memory_space<hbm>>) target_semaphore(%run_scoped3A : memref<!tpu.dma_semaphore, #tpu.memory_space<semaphore_mem>>)
        %dma_wait3A = arith.constant 0 : i32
        %dma_wait3A_33 = tpu.memref_slice %arg5[%multiple_of3A, %dma_wait3A] : memref<50000x512xi32, #tpu.memory_space<hbm>> -> memref<1568x512xi32, #tpu.memory_space<hbm>>
        %dma_wait3A_34 = arith.constant 0 : i32
        %dma_wait3A_35 = arith.constant 0 : i32
        %dma_wait3A_36 = tpu.memref_slice %arg2[%dma_wait3A_34, %dma_wait3A_35] : memref<1568x512xi32, #tpu.memory_space<hbm>> -> memref<1568x512xi32, #tpu.memory_space<hbm>>
        tpu.wait_dma2 semaphore(%run_scoped3A : memref<!tpu.dma_semaphore, #tpu.memory_space<semaphore_mem>>) src(%dma_wait3A_36 : memref<1568x512xi32, #tpu.memory_space<hbm>>) dst(%dma_wait3A_33 : memref<1568x512xi32, #tpu.memory_space<hbm>>)
        tpu.yield
      }) : () -> ()
    } else {
    }
    %ge3A = arith.constant 10 : i32
    %ge3A_15 = arith.cmpi sge, %add3A, %ge3A : i32
    %convert_element_type3A_16 = arith.extui %ge3A_15 : i1 to i32
    %cond3A_17 = arith.constant 0 : i32
    %cond3A_18 = arith.cmpi ne, %convert_element_type3A_16, %cond3A_17 : i32
    scf.if %cond3A_18 {
      "tpu.region"() ({
        %run_scoped3A = tpu.sem_alloc : memref<!tpu.dma_semaphore, #tpu.memory_space<semaphore_mem>>
        %dma_start3A = arith.constant 0 : i32
        %dma_start3A_29 = tpu.memref_slice %arg5[%multiple_of3A, %dma_start3A] : memref<50000x512xi32, #tpu.memory_space<hbm>> -> memref<1560x512xi32, #tpu.memory_space<hbm>>
        %dma_start3A_30 = arith.constant 0 : i32
        %dma_start3A_31 = arith.constant 0 : i32
        %dma_start3A_32 = tpu.memref_slice %arg2[%dma_start3A_30, %dma_start3A_31] : memref<1568x512xi32, #tpu.memory_space<hbm>> -> memref<1560x512xi32, #tpu.memory_space<hbm>>
        tpu.enqueue_dma source(%dma_start3A_32 : memref<1560x512xi32, #tpu.memory_space<hbm>>) target(%dma_start3A_29 : memref<1560x512xi32, #tpu.memory_space<hbm>>) target_semaphore(%run_scoped3A : memref<!tpu.dma_semaphore, #tpu.memory_space<semaphore_mem>>)
        %dma_wait3A = arith.constant 0 : i32
        %dma_wait3A_33 = tpu.memref_slice %arg5[%multiple_of3A, %dma_wait3A] : memref<50000x512xi32, #tpu.memory_space<hbm>> -> memref<1560x512xi32, #tpu.memory_space<hbm>>
        %dma_wait3A_34 = arith.constant 0 : i32
        %dma_wait3A_35 = arith.constant 0 : i32
        %dma_wait3A_36 = tpu.memref_slice %arg2[%dma_wait3A_34, %dma_wait3A_35] : memref<1568x512xi32, #tpu.memory_space<hbm>> -> memref<1560x512xi32, #tpu.memory_space<hbm>>
        tpu.wait_dma2 semaphore(%run_scoped3A : memref<!tpu.dma_semaphore, #tpu.memory_space<semaphore_mem>>) src(%dma_wait3A_36 : memref<1560x512xi32, #tpu.memory_space<hbm>>) dst(%dma_wait3A_33 : memref<1560x512xi32, #tpu.memory_space<hbm>>)
        tpu.yield
      }) : () -> ()
    } else {
    }
    %lt3A_19 = arith.constant 10 : i32
    %lt3A_20 = arith.cmpi slt, %add3A, %lt3A_19 : i32
    %jit3A = arith.constant 1568 : i32
    %jit3A_21 = arith.constant 1560 : i32
    %select_n3A_22 = arith.select %lt3A_20, %jit3A, %jit3A_21 : i32
    %ge3A_23 = arith.cmpi sge, %squeeze3A, %multiple_of3A : i32
    %add3A_24 = arith.addi %multiple_of3A, %select_n3A_22 : i32
    %lt3A_25 = arith.cmpi slt, %squeeze3A, %add3A_24 : i32
    %and3A = arith.andi %ge3A_23, %lt3A_25 : i1
    %convert_element_type3A_26 = arith.extui %and3A : i1 to i32
    %cond3A_27 = arith.constant 0 : i32
    %cond3A_28 = arith.cmpi ne, %convert_element_type3A_26, %cond3A_27 : i32
    scf.if %cond3A_28 {
      %jit3A_29 = arith.constant 8 : i32
      %div3A = arith.divsi %squeeze3A, %jit3A_29 : i32
      %sign3A = arith.constant 0 : i32
      %sign3A_30 = arith.cmpi sgt, %squeeze3A, %sign3A : i32
      %sign3A_31 = arith.extui %sign3A_30 : i1 to i32
      %sign3A_32 = arith.constant 0 : i32
      %sign3A_33 = arith.cmpi slt, %squeeze3A, %sign3A_32 : i32
      %sign3A_34 = arith.extui %sign3A_33 : i1 to i32
      %sign3A_35 = arith.subi %sign3A_31, %sign3A_34 : i32
      %sign3A_36 = arith.constant 0 : i32
      %sign3A_37 = arith.cmpi sgt, %jit3A_29, %sign3A_36 : i32
      %sign3A_38 = arith.extui %sign3A_37 : i1 to i32
      %sign3A_39 = arith.constant 0 : i32
      %sign3A_40 = arith.cmpi slt, %jit3A_29, %sign3A_39 : i32
      %sign3A_41 = arith.extui %sign3A_40 : i1 to i32
      %sign3A_42 = arith.subi %sign3A_38, %sign3A_41 : i32
      %ne3A = arith.cmpi ne, %sign3A_35, %sign3A_42 : i32
      %rem3A = arith.remsi %squeeze3A, %jit3A_29 : i32
      %ne3A_43 = arith.constant 0 : i32
      %ne3A_44 = arith.cmpi ne, %rem3A, %ne3A_43 : i32
      %and3A_45 = arith.andi %ne3A, %ne3A_44 : i1
      %sub3A_46 = arith.constant 1 : i32
      %sub3A_47 = arith.subi %div3A, %sub3A_46 : i32
      %select_n3A_48 = arith.select %and3A_45, %sub3A_47, %div3A : i32
      %mul3A_49 = arith.constant 8 : i32
      %mul3A_50 = arith.muli %select_n3A_48, %mul3A_49 : i32
      %multiple_of3A_51 = tpu.assume_multiple %mul3A_50, 8 : i32
      %jit3A_52 = arith.constant 8 : i32
      %eq3A = arith.constant 0 : i32
      %eq3A_53 = arith.cmpi eq, %jit3A_52, %eq3A : i32
      %jit3A_54 = arith.constant 1 : i32
      %select_n3A_55 = arith.select %eq3A_53, %jit3A_54, %jit3A_52 : i32
      %rem3A_56 = arith.remsi %squeeze3A, %select_n3A_55 : i32
      %ne3A_57 = arith.constant 0 : i32
      %ne3A_58 = arith.cmpi ne, %rem3A_56, %ne3A_57 : i32
      %lt3A_59 = arith.constant 0 : i32
      %lt3A_60 = arith.cmpi slt, %rem3A_56, %lt3A_59 : i32
      %lt3A_61 = arith.constant 0 : i32
      %lt3A_62 = arith.cmpi slt, %select_n3A_55, %lt3A_61 : i32
      %ne3A_63 = arith.xori %lt3A_60, %lt3A_62 : i1
      %and3A_64 = arith.andi %ne3A_63, %ne3A_58 : i1
      %add3A_65 = arith.addi %rem3A_56, %select_n3A_55 : i32
      %select_n3A_66 = arith.select %and3A_64, %add3A_65, %rem3A_56 : i32
      "tpu.region"() ({
        %run_scoped3A = tpu.sem_alloc : memref<!tpu.dma_semaphore, #tpu.memory_space<semaphore_mem>>
        %dma_start3A = arith.constant 0 : i32
        %dma_start3A_67 = tpu.memref_slice %arg5[%multiple_of3A_51, %dma_start3A] : memref<50000x512xi32, #tpu.memory_space<hbm>> -> memref<8x512xi32, #tpu.memory_space<hbm>>
        %dma_start3A_68 = arith.constant 0 : i32
        %dma_start3A_69 = arith.constant 0 : i32
        %dma_start3A_70 = tpu.memref_slice %arg3[%select_n3A_66, %dma_start3A_68, %dma_start3A_69] : memref<8x8x512xi32, #tpu.memory_space<hbm>> -> memref<1x8x512xi32, #tpu.memory_space<hbm>>
        %dma_start3A_71 = tpu.memref_squeeze %dma_start3A_70 : memref<1x8x512xi32, #tpu.memory_space<hbm>> -> memref<8x512xi32, #tpu.memory_space<hbm>>
        tpu.enqueue_dma source(%dma_start3A_71 : memref<8x512xi32, #tpu.memory_space<hbm>>) target(%dma_start3A_67 : memref<8x512xi32, #tpu.memory_space<hbm>>) target_semaphore(%run_scoped3A : memref<!tpu.dma_semaphore, #tpu.memory_space<semaphore_mem>>)
        %dma_wait3A = arith.constant 0 : i32
        %dma_wait3A_72 = tpu.memref_slice %arg5[%multiple_of3A_51, %dma_wait3A] : memref<50000x512xi32, #tpu.memory_space<hbm>> -> memref<8x512xi32, #tpu.memory_space<hbm>>
        %dma_wait3A_73 = arith.constant 0 : i32
        %dma_wait3A_74 = arith.constant 0 : i32
        %dma_wait3A_75 = tpu.memref_slice %arg3[%select_n3A_66, %dma_wait3A_73, %dma_wait3A_74] : memref<8x8x512xi32, #tpu.memory_space<hbm>> -> memref<1x8x512xi32, #tpu.memory_space<hbm>>
        %dma_wait3A_76 = tpu.memref_squeeze %dma_wait3A_75 : memref<1x8x512xi32, #tpu.memory_space<hbm>> -> memref<8x512xi32, #tpu.memory_space<hbm>>
        tpu.wait_dma2 semaphore(%run_scoped3A : memref<!tpu.dma_semaphore, #tpu.memory_space<semaphore_mem>>) src(%dma_wait3A_76 : memref<8x512xi32, #tpu.memory_space<hbm>>) dst(%dma_wait3A_72 : memref<8x512xi32, #tpu.memory_space<hbm>>)
        tpu.yield
      }) : () -> ()
    } else {
    }
    return
  }
}

module attributes {stable_mosaic.version = 14 : i64} {
  func.func @_colsum_body(%arg0: i32, %arg1: memref<5000x512xf32, #tpu.memory_space<vmem>>, %arg2: memref<8x512xf32, #tpu.memory_space<vmem>>) attributes {dimension_semantics = [#tpu.dimension_semantics<arbitrary>], iteration_bounds = array<i64: 10>, scalar_prefetch = 0 : i64, scratch_operands = 0 : i64, tpu.core_type = #tpu.core_type<tc>, window_params = [{transform_indices = @transform_0, window_bounds = array<i64: 5000, 512>}, {pipeline_mode = #tpu.pipeline_mode<synchronous>, transform_indices = @transform_1, window_bounds = array<i64: 8, 512>}]} {
    %eq3A = arith.constant 0 : i32
    %eq3A_0 = arith.cmpi eq, %arg0, %eq3A : i32
    %convert_element_type3A = arith.extui %eq3A_0 : i1 to i32
    %cond3A = arith.constant 0 : i32
    %cond3A_1 = arith.cmpi ne, %convert_element_type3A, %cond3A : i32
    scf.if %cond3A_1 {
      %broadcast_in_dim3A = arith.constant 0.000000e+00 : f32
      %broadcast_in_dim3A_10 = vector.broadcast %broadcast_in_dim3A : f32 to vector<8x512xf32>
      %swap3A_11 = arith.constant 0 : index
      %swap3A_12 = arith.constant 0 : index
      %swap3A_13 = vector.load %arg2[%swap3A_11, %swap3A_12] : memref<8x512xf32, #tpu.memory_space<vmem>>, vector<8x512xf32>
      tpu.vector_store %arg2[%swap3A_11, %swap3A_12], %broadcast_in_dim3A_10 {strides = array<i32>} : memref<8x512xf32, #tpu.memory_space<vmem>>, vector<8x512xf32>,
    } else {
    }
    %get3A = arith.constant 0 : index
    %get3A_2 = arith.constant 0 : index
    %get3A_3 = vector.load %arg1[%get3A, %get3A_2] : memref<5000x512xf32, #tpu.memory_space<vmem>>, vector<5000x512xf32>
    %get3A_4 = arith.constant 0 : index
    %get3A_5 = arith.constant 0 : index
    %get3A_6 = vector.load %arg2[%get3A_4, %get3A_5] : memref<8x512xf32, #tpu.memory_space<vmem>>, vector<8x512xf32>
    %reshape3A = vector.shape_cast %get3A_3 : vector<5000x512xf32> to vector<625x8x512xf32>
    %reduce_sum3A = arith.constant dense<0.000000e+00> : vector<8x512xf32>
    %reduce_sum3A_7 = vector.multi_reduction <add>, %reshape3A, %reduce_sum3A [0] : vector<625x8x512xf32> to vector<8x512xf32>
    %add3A = arith.addf %get3A_6, %reduce_sum3A_7 : vector<8x512xf32>
    %swap3A = arith.constant 0 : index
    %swap3A_8 = arith.constant 0 : index
    %swap3A_9 = vector.load %arg2[%swap3A, %swap3A_8] : memref<8x512xf32, #tpu.memory_space<vmem>>, vector<8x512xf32>
    tpu.vector_store %arg2[%swap3A, %swap3A_8], %add3A {strides = array<i32>} : memref<8x512xf32, #tpu.memory_space<vmem>>, vector<8x512xf32>,
    return
  }
  func.func @transform_0(%arg0: i32) -> (i32, i32) {
    %c0_i32 = arith.constant 0 : i32
    %c0_i32_0 = arith.constant 0 : i32
    return %arg0, %c0_i32 : i32, i32
  }
  func.func @transform_1(%arg0: i32) -> (i32, i32) {
    %c0_i32 = arith.constant 0 : i32
    %c0_i32_0 = arith.constant 0 : i32
    %c0_i32_1 = arith.constant 0 : i32
    return %c0_i32, %c0_i32_0 : i32, i32
  }
}

module attributes {stable_mosaic.version = 14 : i64} {
  func.func @_dist_body(%arg0: i32, %arg1: memref<8x512xf32, #tpu.memory_space<vmem>>, %arg2: memref<5000x512xf32, #tpu.memory_space<vmem>>, %arg3: memref<1x1xi32, #tpu.memory_space<smem>>, %arg4: memref<1xf32, #tpu.memory_space<smem>>, %arg5: memref<1xi32, #tpu.memory_space<smem>>) attributes {dimension_semantics = [#tpu.dimension_semantics<arbitrary>], iteration_bounds = array<i64: 10>, scalar_prefetch = 0 : i64, scratch_operands = 2 : i64, tpu.core_type = #tpu.core_type<tc>, window_params = [{pipeline_mode = #tpu.pipeline_mode<synchronous>, transform_indices = @transform_0, window_bounds = array<i64: 8, 512>}, {transform_indices = @transform_1, window_bounds = array<i64: 5000, 512>}, {transform_indices = @transform_2, window_bounds = array<i64: 1, 1>}]} {
    %get3A = arith.constant 0 : index
    %get3A_0 = arith.constant 0 : index
    %get3A_1 = vector.load %arg1[%get3A, %get3A_0] : memref<8x512xf32, #tpu.memory_space<vmem>>, vector<8x512xf32>
    %reduce_sum3A = arith.constant dense<0.000000e+00> : vector<512xf32>
    %reduce_sum3A_2 = vector.multi_reduction <add>, %get3A_1, %reduce_sum3A [0] : vector<8x512xf32> to vector<512xf32>
    %reduce_sum3A_3 = vector.shape_cast %reduce_sum3A_2 : vector<512xf32> to vector<1x512xf32>
    %reduce_sum3A_4 = arith.constant dense<0.000000e+00> : vector<1xf32>
    %reduce_sum3A_5 = vector.multi_reduction <add>, %reduce_sum3A_3, %reduce_sum3A_4 [1] : vector<1x512xf32> to vector<1xf32>
    %reduce_sum3A_6 = vector.shape_cast %reduce_sum3A_5 : vector<1xf32> to vector<1x1xf32>
    %reduce_sum3A_7 = vector.extract %reduce_sum3A_6[0, 0] : f32 from vector<1x1xf32>
    %add3A = arith.constant 9.99999993E-9 : f32
    %add3A_8 = arith.addf %reduce_sum3A_7, %add3A : f32
    %div3A = vector.broadcast %add3A_8 : f32 to vector<512xf32>
    %div3A_9 = arith.divf %reduce_sum3A_2, %div3A : vector<512xf32>
    %sub3A = arith.constant 9.99999997E-7 : f32
    %sub3A_10 = vector.broadcast %sub3A : f32 to vector<512xf32>
    %sub3A_11 = arith.subf %div3A_9, %sub3A_10 : vector<512xf32>
    %get3A_12 = arith.constant 0 : index
    %get3A_13 = arith.constant 0 : index
    %get3A_14 = vector.load %arg2[%get3A_12, %get3A_13] : memref<5000x512xf32, #tpu.memory_space<vmem>>, vector<5000x512xf32>
    %broadcast_in_dim3A = vector.shape_cast %sub3A_11 : vector<512xf32> to vector<1x512xf32>
    %sub3A_15 = vector.broadcast %broadcast_in_dim3A : vector<1x512xf32> to vector<5000x512xf32>
    %sub3A_16 = arith.subf %get3A_14, %sub3A_15 : vector<5000x512xf32>
    %mul3A = arith.mulf %sub3A_16, %sub3A_16 : vector<5000x512xf32>
    %broadcast_in_dim3A_17 = arith.constant 1.000000e+00 : f32
    %broadcast_in_dim3A_18 = vector.broadcast %broadcast_in_dim3A_17 : f32 to vector<512x1xf32>
    %dot_general3A = arith.constant dense<0.000000e+00> : vector<5000x1xf32>
    %dot_general3A_19 = tpu.matmul %mul3A, %broadcast_in_dim3A_18, %dot_general3A {dimension_numbers = #tpu.dot_dimension_numbers<[1], [0], [0], [1], [0, 0, 1, 1], [], []>, transpose_lhs_hint = false} : vector<5000x512xf32>, vector<512x1xf32>, vector<5000x1xf32> -> vector<5000x1xf32>
    %reduce_min3A = vector.shape_cast %dot_general3A_19 : vector<5000x1xf32> to vector<1x5000x1xf32>
    %reduce_min3A_20 = arith.constant dense<0x7F800000> : vector<1xf32>
    %reduce_min3A_21 = vector.multi_reduction <minimumf>, %reduce_min3A, %reduce_min3A_20 [1, 2] : vector<1x5000x1xf32> to vector<1xf32>
    %reduce_min3A_22 = vector.shape_cast %reduce_min3A_21 : vector<1xf32> to vector<1x1x1xf32>
    %reduce_min3A_23 = vector.extract %reduce_min3A_22[0, 0, 0] : f32 from vector<1x1x1xf32>
    %iota3A = tpu.iota {dimensions = array<i32: 0>} : vector<5000x1xi32>
    %mul3A_24 = arith.constant 5000 : i32
    %mul3A_25 = arith.muli %arg0, %mul3A_24 : i32
    %add3A_26 = vector.broadcast %mul3A_25 : i32 to vector<5000x1xi32>
    %add3A_27 = arith.addi %iota3A, %add3A_26 : vector<5000x1xi32>
    %eq3A = vector.broadcast %reduce_min3A_23 : f32 to vector<5000x1xf32>
    %eq3A_28 = arith.cmpf oeq, %dot_general3A_19, %eq3A : vector<5000x1xf32>
    %jit3A = arith.constant 2147483647 : i32
    %broadcast_in_dim3A_29 = vector.broadcast %jit3A : i32 to vector<5000x1xi32>
    %select_n3A = arith.select %eq3A_28, %add3A_27, %broadcast_in_dim3A_29 : vector<5000x1xi1>, vector<5000x1xi32>
    %reduce_min3A_30 = vector.shape_cast %select_n3A : vector<5000x1xi32> to vector<1x5000x1xi32>
    %reduce_min3A_31 = arith.constant dense<2147483647> : vector<1xi32>
    %reduce_min3A_32 = vector.multi_reduction <minsi>, %reduce_min3A_30, %reduce_min3A_31 [1, 2] : vector<1x5000x1xi32> to vector<1xi32>
    %reduce_min3A_33 = vector.shape_cast %reduce_min3A_32 : vector<1xi32> to vector<1x1x1xi32>
    %reduce_min3A_34 = vector.extract %reduce_min3A_33[0, 0, 0] : i32 from vector<1x1x1xi32>
    %eq3A_35 = arith.constant 0 : i32
    %eq3A_36 = arith.cmpi eq, %arg0, %eq3A_35 : i32
    %convert_element_type3A = arith.extui %eq3A_36 : i1 to i32
    %cond3A = arith.constant 0 : i32
    %cond3A_37 = arith.cmpi ne, %convert_element_type3A, %cond3A : i32
    scf.if %cond3A_37 {
      %swap3A = arith.constant 0 : index
      %swap3A_47 = memref.load %arg4[%swap3A] : memref<1xf32, #tpu.memory_space<smem>>
      memref.store %reduce_min3A_23, %arg4[%swap3A] : memref<1xf32, #tpu.memory_space<smem>>
      %swap3A_48 = arith.constant 0 : index
      %swap3A_49 = memref.load %arg5[%swap3A_48] : memref<1xi32, #tpu.memory_space<smem>>
      memref.store %reduce_min3A_34, %arg5[%swap3A_48] : memref<1xi32, #tpu.memory_space<smem>>
    } else {
    }
    %gt3A = arith.constant 0 : i32
    %gt3A_38 = arith.cmpi sgt, %arg0, %gt3A : i32
    %convert_element_type3A_39 = arith.extui %gt3A_38 : i1 to i32
    %cond3A_40 = arith.constant 0 : i32
    %cond3A_41 = arith.cmpi ne, %convert_element_type3A_39, %cond3A_40 : i32
    scf.if %cond3A_41 {
      %get3A_47 = arith.constant 0 : index
      %get3A_48 = memref.load %arg4[%get3A_47] : memref<1xf32, #tpu.memory_space<smem>>
      %lt3A = arith.cmpf olt, %reduce_min3A_23, %get3A_48 : f32
      %get3A_49 = arith.constant 0 : index
      %get3A_50 = memref.load %arg4[%get3A_49] : memref<1xf32, #tpu.memory_space<smem>>
      %select_n3A_51 = arith.select %lt3A, %reduce_min3A_23, %get3A_50 : f32
      %swap3A = arith.constant 0 : index
      %swap3A_52 = memref.load %arg4[%swap3A] : memref<1xf32, #tpu.memory_space<smem>>
      memref.store %select_n3A_51, %arg4[%swap3A] : memref<1xf32, #tpu.memory_space<smem>>
      %get3A_53 = arith.constant 0 : index
      %get3A_54 = memref.load %arg5[%get3A_53] : memref<1xi32, #tpu.memory_space<smem>>
      %select_n3A_55 = arith.select %lt3A, %reduce_min3A_34, %get3A_54 : i32
      %swap3A_56 = arith.constant 0 : index
      %swap3A_57 = memref.load %arg5[%swap3A_56] : memref<1xi32, #tpu.memory_space<smem>>
      memref.store %select_n3A_55, %arg5[%swap3A_56] : memref<1xi32, #tpu.memory_space<smem>>
    } else {
    }
    %eq3A_42 = arith.constant 9 : i32
    %eq3A_43 = arith.cmpi eq, %arg0, %eq3A_42 : i32
    %convert_element_type3A_44 = arith.extui %eq3A_43 : i1 to i32
    %cond3A_45 = arith.constant 0 : i32
    %cond3A_46 = arith.cmpi ne, %convert_element_type3A_44, %cond3A_45 : i32
    scf.if %cond3A_46 {
      %get3A_47 = arith.constant 0 : index
      %get3A_48 = memref.load %arg5[%get3A_47] : memref<1xi32, #tpu.memory_space<smem>>
      %swap3A = arith.constant 0 : index
      %swap3A_49 = arith.constant 0 : index
      %swap3A_50 = memref.load %arg3[%swap3A, %swap3A_49] : memref<1x1xi32, #tpu.memory_space<smem>>
      memref.store %get3A_48, %arg3[%swap3A, %swap3A_49] : memref<1x1xi32, #tpu.memory_space<smem>>
    } else {
    }
    return
  }
  func.func @transform_0(%arg0: i32) -> (i32, i32) {
    %c0_i32 = arith.constant 0 : i32
    %c0_i32_0 = arith.constant 0 : i32
    %c0_i32_1 = arith.constant 0 : i32
    return %c0_i32, %c0_i32_0 : i32, i32
  }
  func.func @transform_1(%arg0: i32) -> (i32, i32) {
    %c0_i32 = arith.constant 0 : i32
    %c0_i32_0 = arith.constant 0 : i32
    return %arg0, %c0_i32 : i32, i32
  }
  func.func @transform_2(%arg0: i32) -> (i32, i32) {
    %c0_i32 = arith.constant 0 : i32
    %c0_i32_0 = arith.constant 0 : i32
    %c0_i32_1 = arith.constant 0 : i32
    return %c0_i32, %c0_i32_0 : i32, i32
  }
}

</mosaic_0001>

<sc_bundles>
// kernel: kernel.5.cloned.1.call-start
scs
__scs_entry_jumppad:
0x0: {  	(pc) =	sbr.rel $0x88, $3  }
0x1: {  	(tag) =	ssettag $0x0;
	lr =	simm.s32 $0x1  }
0x2: {  	[smem:$0x3FA0] =	sst lr;
	_ =	strace $0xD0000000  }
0x3: {  	_ = 	snop  }
0x4: {  	_ = 	snop  }
0x5: {  	_ = 	snop  }
0x6: {  	_ = 	snop  }
0x7: {  	_ = 	snop  }
__scs_overlays_trampoline_lowered:
0x8: {  	[smem:$0x3FAF] =	sst s0  }
0x9: {  	[smem:$0x3FB0] =	sst s1  }
0xa: {  	[smem:$0x3FB1] =	sst s2  }
0xb: {  	[smem:$0x3FB2] =	sst s3  }
0xc: {  	[smem:$0x3FB3] =	sst s4  }
0xd: {  	[smem:$0x3FB4] =	sst s5  }
0xe: {  	[smem:$0x3FB5] =	sst s6  }
0xf: {  	[smem:$0x3FB6] =	sst s7  }
0x10: {  	[smem:$0x3FB7] =	sst s8  }
0x11: {  	[smem:$0x3FB8] =	sst s9;
	s0 =	simm.s32 @!p0 $0x0  }
0x12: {  	s1 =	sld [smem:$0x3F9E];
	s0 =	simm.s32 @p0 $0x1  }
0x13: {  	[smem:$0x3FB9] =	sst s0;
	s0 =	simm.s32 @!p1 $0x0  }
0x14: {  	s2 =	sld [smem:$0x3F9D];
	s0 =	simm.s32 @p1 $0x1  }
0x15: {  	[smem:$0x3FBA] =	sst s0;
	s0 =	simm.s32 @!p2 $0x0  }
0x16: {  	s3 =	sld [smem:$0x3FDB];
	s0 =	simm.s32 @p2 $0x1  }
0x17: {  	s4 =	simm.s32 $0x1BF5;
	[smem:$0x3FBC] =	sst s0  }
0x18: {  	s0 =	sld [smem:$0x3F9F];
	_ =	swait.ge [sflag:s4], $0x0  }
0x19: {  	s7 =	sld [smem:$0x3FA0]  }
0x1a: {  	s8 =	sadd.s32 $0xFFFFE003, lr  }
0x1b: {  	s9 =	sadd.s32 $0xFFFFFEF7, lr;
	s5 =	simm.s32 $0xFFFFFFFF;
	p2 =	slt.u32 s8, $0xFFFFF086  }
0x1c: {  	p1 =	slt.u32 s9, $0xF7A;
	s5 =	simm.s32 @!p2 $0x0  }
0x1d: {  	s5 =	simm.s32 @p1 $0x1;
	p0 =	seq.s32 s7, s2  }
0x1e: {  	s7 =	smul.u32 @!p0 $0xF7A, s2;
	p2 =	seq.s32 @!p0 s5, $0x0  }
0x1f: {  	s9 =	smul.u32 $0xF7A, s1;
	s8 =	simm.s32 @!p0 $0x1BF5;
	p2 =	por !p2, p0  }
0x20: {  	[sflag:s8] =	ssyncset.s32 @!p0 $0xFFFFF086;
	s6 =	sadd.s32 @!p0 s3, s7;
	s7 =	simm.s32 @!p0 $0x108  }
0x21: {  	s3 =	sadd.s32 s3, s9;
	s6 =	sadd.s32 @!p0 $0x88, s6;
	s7 =	simm.s32 @p2 $0x1082  }
0x22: {  	[simem:s7], [sflag:s8] =	dma.local @!p0 [hbm:s6], $0xF7A  }
0x23: {  	s9 =	sor.u32 $0xD0000000, s2;
	s6 =	simm.s32 $0x108;
	_ =	swait.ge @!p0 [sflag:s8], $0x0  }
0x24: {  	s3 =	sadd.s32 $0x88, s3;
	s6 =	simm.s32 @!p1 $0x1082;
	[sflag:s4] =	ssyncset.s32 $0xFFFFF086  }
0x25: {  	[simem:s6], [sflag:s4] =	dma.local [hbm:s3], $0xF7A  }
0x26: {  	[smem:$0x3FA0] =	sst s1;
	(tag) =	ssettag s2;
	_ =	strace s9  }
0x27: {  	s1 =	sld [smem:$0x3FB0]  }
0x28: {  	s2 =	sld [smem:$0x3FB1]  }
0x29: {  	s4 =	sld [smem:$0x3FB3]  }
0x2a: {  	p0 =	seq.s32 s5, $0x0;
	s5 =	sld [smem:$0x3FB4]  }
0x2b: {  	s6 =	sld [smem:$0x3FB5]  }
0x2c: {  	s7 =	sld [smem:$0x3FB6]  }
0x2d: {  	s3 =	simm.s32 $0x108;
	s8 =	sld [smem:$0x3FB7]  }
0x2e: {  	s3 =	simm.s32 @!p0 $0x1082;
	s9 =	sld [smem:$0x3FB8]  }
0x2f: {  	lr =	sadd.s32 s0, s3;
	s0 =	sld [smem:$0x3FAF]  }
0x30: {  	s3 =	sld [smem:$0x3FB2]  }
0x31: {  	[smem:$0x3FBB] =	sst s10  }
0x32: {  	s10 =	sld [smem:$0x3FB9];
	_ =	sdelay $0x3  }
0x33: {  	p0 =	seq.s32 s10, $0x1;
	s10 =	sld [smem:$0x3FBB];
	_ =	sdelay $0x3  }
0x34: {  	[smem:$0x3FBB] =	sst s10  }
0x35: {  	s10 =	sld [smem:$0x3FBA];
	_ =	sdelay $0x3  }
0x36: {  	p1 =	seq.s32 s10, $0x1;
	s10 =	sld [smem:$0x3FBB];
	_ =	sdelay $0x3  }
0x37: {  	[smem:$0x3FBB] =	sst s10  }
0x38: {  	s10 =	sld [smem:$0x3FBC]  }
0x39: {  	_ = 	snop;
	(pc) =	sbr.ind lr, $3  }
0x3a: {  	_ = 	snop  }
0x3b: {  	_ = 	snop  }
0x3c: {  	p2 =	seq.s32 s10, $0x1;
	s10 =	sld [smem:$0x3FBB]  }
0x3d: {  	_ =	shalt  }
0x3e: {  	_ =	shalt  }
0x3f: {  	_ =	shalt  }
0x40: {  	_ =	shalt  }
0x41: {  	_ =	shalt  }
0x42: {  	_ =	shalt  }
0x43: {  	_ =	shalt  }
0x44: {  	_ =	shalt  }
0x45: {  	_ =	shalt  }
0x46: {  	_ =	shalt  }
0x47: {  	_ =	shalt  }
0x48: {  	_ =	shalt  }
0x49: {  	_ =	shalt  }
0x4a: {  	_ =	shalt  }
0x4b: {  	_ =	shalt  }
0x4c: {  	_ =	shalt  }
0x4d: {  	_ =	shalt  }
0x4e: {  	_ =	shalt  }
0x4f: {  	_ =	shalt  }
0x50: {  	_ =	shalt  }
0x51: {  	_ =	shalt  }
0x52: {  	_ =	shalt  }
0x53: {  	_ =	shalt  }
0x54: {  	_ =	shalt  }
0x55: {  	_ =	shalt  }
0x56: {  	_ =	shalt  }
0x57: {  	_ =	shalt  }
0x58: {  	_ =	shalt  }
0x59: {  	_ =	shalt  }
0x5a: {  	_ =	shalt  }
0x5b: {  	_ =	shalt  }
0x5c: {  	_ =	shalt  }
0x5d: {  	_ =	shalt  }
0x5e: {  	_ =	shalt  }
0x5f: {  	_ =	shalt  }
0x60: {  	_ =	shalt  }
0x61: {  	_ =	shalt  }
0x62: {  	_ =	shalt  }
0x63: {  	_ =	shalt  }
0x64: {  	_ =	shalt  }
0x65: {  	_ =	shalt  }
0x66: {  	_ =	shalt  }
0x67: {  	_ =	shalt  }
0x68: {  	_ =	shalt  }
0x69: {  	_ =	shalt  }
0x6a: {  	_ =	shalt  }
0x6b: {  	_ =	shalt  }
0x6c: {  	_ =	shalt  }
0x6d: {  	_ =	shalt  }
0x6e: {  	_ =	shalt  }
0x6f: {  	_ =	shalt  }
0x70: {  	_ =	shalt  }
0x71: {  	_ =	shalt  }
0x72: {  	_ =	shalt  }
0x73: {  	_ =	shalt  }
0x74: {  	_ =	shalt  }
0x75: {  	_ =	shalt  }
0x76: {  	_ =	shalt  }
0x77: {  	_ =	shalt  }
0x78: {  	_ =	shalt  }
0x79: {  	_ =	shalt  }
0x7a: {  	_ =	shalt  }
0x7b: {  	_ =	shalt  }
0x7c: {  	_ =	shalt  }
0x7d: {  	_ =	shalt  }
0x7e: {  	_ =	shalt  }
0x7f: {  	_ =	shalt  }
0x80: {  	_ =	shalt  }
0x81: {  	_ =	shalt  }
0x82: {  	_ =	shalt  }
0x83: {  	_ =	shalt  }
0x84: {  	_ =	shalt  }
0x85: {  	_ =	shalt  }
0x86: {  	_ =	shalt  }
0x87: {  	_ =	shalt  }
.Lfunc_end0:
.L_simem_size_0:
called_computation_lowered:
.L_overlay_start_0:
0x88: {  	s2 =	sld [smem:$0x3FD9]  }
0x89: {  	s3 =	sld [smem:$0x3FFE];
	_ =	sdelay $0x1  }
0x8a: {  	s1 =	srdreg.scid  }
0x8b: {  	s0 =	sand.u32 $0x1, s1  }
0x8c: {  	s17 =	sshll.u32 s0, $0xA;
	s2 =	sadd.s32 s3, s2  }
0x8d: {  	s2 =	sadd.s32 s2, s17  }
0x8e: {  	[smem:$0x3FC7] =	sst s2  }
0x8f: {  	_ = 	snop  }
0x90: {  	s2 =	sld [smem:$0x3FD0];
	(tm) =	ssettm $0x1  }
0x91: {  	s18 =	sld [smem:$0x3FFB];
	_ =	sdelay $0x3  }
0x92: {  	_ =	strace s18  }
0x93: {  	s3 =	sld [smem:$0x3FFC];
	_ =	sdelay $0x3  }
0x94: {  	_ =	strace s3  }
0x95: {  	s3 =	sld [smem:$0x3FFD];
	_ =	sdelay $0x3  }
0x96: {  	_ =	strace s3  }
0x97: {  	_ =	strace $0x8FFFFFFF  }
0x98: {  	s19 =	sld [smem:$0x3FDB];
	_ =	sdelay $0x1  }
0x99: {  	s4 =	simm.s32 $_scs_section_size  }
0x9a: {  	s5 =	simm.s32 $_size__tile_overlayer_lowered;
	s6 =	simm.s32 $_tile_overlayer_lowered  }
0x9b: {  	s22 =	simm.s32 $0x1BFF;
	s21 =	sshll.u32 s6, $0x1;
	s3 =	sadd.s32 s4, s19  }
0x9c: {  	s7 =	simm.s32 $0x0;
	s20 =	sshll.u32 s5, $0x1;
	s5 =	sadd.s32 s21, s3  }
0x9d: {  	[timem:s7], [sflag:s22] =	dma.local [hbm:s5], s20  }
0x9e: {  	_ =	swait.ge [sflag:s22], s20  }
0x9f: {  	s4 =	ssub.s32 $0x0, s20;
	[sflag:s22] =	ssyncset.done $0x0  }
0xa0: {  	[sflag:s22] =	ssyncadd.s32 s4;
	_ =	sdelay $0x1  }
0xa1: {  	s23 =	simm.s32 $0x1B8B  }
0xa2: {  	_ =	swait.ge [sflag:s23], $0x1  }
0xa3: {  	[sflag:s23] =	ssyncset.done $0x0  }
0xa4: {  	s25 =	simm.s32 $0x1B8E;
	s24 =	sld [smem:$0x3FFE];
	[sflag:s23] =	ssyncadd.s32 $0xFFFFFFFF  }
0xa5: {  	s26 =	simm.s32 $execute0_lowered;
	[smem:$0x3FD2] =	sst s25  }
0xa6: {  	s5 =	sshll.u32 s26, $0x1;
	_ =	strace $0x80000046;
	[dreg:$0x1] =	wrdreg $0xFFFFFFFF  }
0xa7: {  	s28 =	simm.s32 $_size_execute0_lowered;
	s3 =	sadd.s32 s3, s5;
	[dreg:$0x0] =	wrdreg $0x0  }
0xa8: {  	s5 =	sshll.u32 s28, $0x1;
	[dreg:$0x2] =	wrdreg s3  }
0xa9: {  	[dreg:$0x3] =	wrdreg s5  }
0xaa: {  	[dreg:$0x4] =	wrdreg $0xC0  }
0xab: {  	_ =	task [dreg:s7], $0x5FFFF  }
0xac: {  	[dreg:$0x1] =	wrdreg $0xFFFFFFFF  }
0xad: {  	[dreg:$0x0] =	wrdreg $0x60  }
0xae: {  	[dreg:$0x2] =	wrdreg s2  }
0xaf: {  	[dreg:$0x3] =	wrdreg s24  }
0xb0: {  	[dreg:$0x4] =	wrdreg $0x9  }
0xb1: {  	_ =	task.clear_ibuf [dreg:s7], $0x5FFFF;
	_ =	strace $0x90000046  }
0xb2: {  	s29 =	simm.s32 $0x9;
	_ =	strace $0x80000048  }
0xb3: {  	_ =	swait.ge [sflag:s29], $0x1  }
0xb4: {  	[sflag:s29] =	ssyncadd.s32 $0xFFFFFFFF  }
0xb5: {  	_ =	strace $0x90000048  }
0xb6: {  	_ =	sfence  }
0xb7: {  	s30 =	sld [smem:$0x0];
	_ =	sdelay $0x2  }
0xb8: {  	s31 =	sshll.u32 s1, $0xD;
	s1 =	sshrl.u32 s1, $0x2  }
0xb9: {  	s3 =	sand.u32 $0x4000, s31;
	s1 =	sadd.s32 s1, s30  }
0xba: {  	s0 =	sor.u32 s3, s0;
	s1 =	sshll.u32 s1, $0x11  }
0xbb: {  	s0 =	sor.u32 s1, s0  }
0xbc: {  	s0 =	sadd.s32 $0x8F2B, s0  }
0xbd: {  	[sflag:s0] =	ssyncadd.remote.s32 $0x1  }
0xbe: {  	_ =	sfence.sel $0xFFFF  }
0xbf: {  	[dreg:$0x0] =	wrdreg $0xFFFFFFFF;
	(pc) =	sbr.abs _section_cstart, $3  }
0xc0: {  	[dreg:$0x1] =	wrdreg $0xFFFFFFFF  }
0xc1: {  	_ =	task.clear_ibuf [dreg:s7], $0x2FFFF;
	_ =	strace $0x9FFFFFFF  }
0xc2: {  	(tm) =	ssettm $0x7FFFFFFF  }
0xc3: {  	_ =	shalt  }
tec
execute0_lowered:
.L_overlay_start_1:
0x0: {  	(tag) =	ssettag $0x1  }
0x1: {  	s2 =	rddreg [dreg:$0x0]  }
0x2: {  	s14 =	rddreg [dreg:$0x1]  }
0x3: {  	s0 =	rddreg [dreg:$0x2];
	s3 =	simm.s32 $0x0  }
0x4: {  	s4 =	srdreg.scid;
	s1 =	stileid.u32;
	s5 =	simm.s32 $0x1  }
0x5: {  	[smem:$0x7FF] =	sst s3;
	s13 =	sand.u32 $0x1, s4;
	s29 =	sshll.u32 s1, $0x1  }
0x6: {  	s4 =	sadd.s32 $0x400, s14;
	s6 =	sadd.s32 $0x1600, s14;
	s15 =	sor.u32 s13, s29  }
0x7: {  	p0 =	sgt.u32 s1, $0x4;
	_ =	strace $0x80000047;
	s16 =	smul.u32 $0x618, s15  }
0x8: {  	[tilespmem:s3], [sflag:$0x1] =	stream.linear.gather [hbm4b:s4+s3], $0x80, $0x38;
	[tilespmem:$0x80] =	vst v63  }
0x9: {  	s9 =	sshll.u32 @p0 s1, $0x6;
	_ =	swait.ge [sflag:s5], $0x80;
	s7 =	sadd.s32 $0x50, s16  }
0xa: {  	s10 =	simm.s32 @p0 $0x1;
	[sflag:s5] =	ssyncset.done $0x0;
	s8 =	sshll.u32 s7, $0x6  }
0xb: {  	s9 =	sor.u32 @p0 $0x1C01, s9;
	[sflag:s5] =	ssyncadd.s32 $0xFFFFFF80;
	s8 =	sadd.s32 s6, s8  }
0xc: {  	v0 =	vld [tilespmem:$0x0];
	[hbm:s8], [sflag:s9] =	dma.local @p0 [hbm:s2], $0x18600  }
0xd: {  	s11 =	smul.u32 $0x18800, s15;
	_ =	swait.ge @p0 [sflag:s10], $0x18600  }
0xe: {  	s12 =	sshll.u32 @!p0 s1, $0x6;
	[sflag:s10] =	ssyncset.done @p0 $0x0  }
0xf: {  	s12 =	sor.u32 @!p0 $0x1C01, s12;
	s11 =	sadd.s32 s6, s11;
	[sflag:s10] =	ssyncadd.s32 @p0 $0xFFFE7A00  }
0x10: {  	[hbm:s11], [sflag:s12] =	dma.local @!p0 [hbm:s2], $0x18800  }
0x11: {  	(v2sf) =	vpush v0, $0x0;
	_ =	sdelay $0xa  }
0x12: {  	s17 =	ssub.s32 $0x2, s13  }
0x13: {  	s15 =	smul.u32 $0x620, s15;
	s30 =	sshrl.u32 s17, $0x1  }
0x14: {  	p1 =	slt.u32 s1, $0x5;
	s14 =	sadd.s32 $0x600, s14;
	s31 =	ssub.s32 s17, s30  }
0x15: {  	s13 =	sadd.s32 $0x668, s16;
	s7 =	smov.u32 @p1 s15;
	s15 =	sadd.s32 $0x620, s15  }
0x16: {  	s13 =	smov.u32 @p1 s15;
	s15 =	simm.s32 @!p0 $0x1;
	s18 =	spop (v2sf)  }
0x17: {  	s16 =	smax.u32 s31, $0x1;
	p1 =	slt.s32 s18, s7;
	_ =	swait.ge @!p0 [sflag:s15], $0x18800  }
0x18: {  	s16 =	sadd.s32 $0xFFFFFFFF, s16;
	p2 =	sge.s32 @!p1 s18, s13;
	[sflag:s15] =	ssyncset.done @!p0 $0x0  }
0x19: {  	p2 =	por p2, p1;
	[sflag:s15] =	ssyncadd.s32 @!p0 $0xFFFE7800;
	p1 =	sne.s32 s16, $0x0  }
0x1a: {  	s17 =	sshll.u32 @!p2 s18, $0x9;
	s18 =	sshll.u32 @!p2 s18, $0x6;
	s19 =	sshll.u32 @!p2 s1, $0x6  }
.Ltmp0:
0x1b: {  	s17 =	sand.u32 @!p2 $0xE00, s17;
	s18 =	sand.u32 @!p2 $0x1FFFFE00, s18;
	(pc) =	sbr.rel @!p1 .LBB2_2-.Ltmp0, $4  }
0x1c: {  	s19 =	sor.u32 @!p2 $0x1C01, s19;
	s17 =	sadd.s32 @!p2 s14, s17;
	s18 =	sadd.s32 @!p2 s6, s18  }
0x1d: {  	[hbm:s18], [sflag:s19] =	dma.local @!p2 [hbm:s17], $0x200  }
0x1e: {  	s17 =	simm.s32 @!p2 $0x1  }
0x1f: {  	_ =	swait.ge @!p2 [sflag:s17], $0x200  }
.LBB2_1:
0x20: {  	s16 =	sadd.s32 $0xFFFFFFFF, s16;
	[sflag:s17] =	ssyncset.done @!p2 $0x0  }
0x21: {  	p1 =	sne.s32 s16, $0x0;
	[sflag:s17] =	ssyncadd.s32 @!p2 $0xFFFFFE00  }
0x22: {  	[tilespmem:s3], [sflag:$0x1] =	stream.linear.gather [hbm4b:s4+s3], $0x80, $0x38;
	[tilespmem:$0x80] =	vst v63  }
0x23: {  	_ =	swait.ge [sflag:s5], $0x80  }
0x24: {  	[sflag:s5] =	ssyncset.done $0x0  }
0x25: {  	[sflag:s5] =	ssyncadd.s32 $0xFFFFFF80  }
0x26: {  	v0 =	vld [tilespmem:$0x0]  }
0x27: {  	[hbm:s8], [sflag:s9] =	dma.local @p0 [hbm:s2], $0x18600  }
0x28: {  	_ =	swait.ge @p0 [sflag:s10], $0x18600  }
0x29: {  	[sflag:s10] =	ssyncset.done @p0 $0x0  }
0x2a: {  	[sflag:s10] =	ssyncadd.s32 @p0 $0xFFFE7A00  }
0x2b: {  	[hbm:s11], [sflag:s12] =	dma.local @!p0 [hbm:s2], $0x18800  }
0x2c: {  	(v2sf) =	vpush v0, $0x0;
	_ =	sdelay $0xe  }
0x2d: {  	s17 =	spop (v2sf)  }
0x2e: {  	p2 =	slt.s32 s17, s7  }
0x2f: {  	p3 =	sge.s32 @!p2 s17, s13  }
0x30: {  	p2 =	por p3, p2  }
0x31: {  	_ =	swait.ge @!p0 [sflag:s15], $0x18800;
	s18 =	sshll.u32 @!p2 s17, $0x9  }
0x32: {  	s17 =	sshll.u32 @!p2 s17, $0x6;
	s19 =	sshll.u32 @!p2 s1, $0x6;
	s18 =	sand.u32 @!p2 $0xE00, s18  }
.Ltmp1:
0x33: {  	s17 =	sand.u32 @!p2 $0x1FFFFE00, s17;
	s19 =	sor.u32 @!p2 $0x1C01, s19;
	(pc) =	sbr.rel @p1 .LBB2_1-.Ltmp1, $4  }
0x34: {  	[sflag:s15] =	ssyncset.done @!p0 $0x0;
	s18 =	sadd.s32 @!p2 s14, s18;
	s20 =	sadd.s32 @!p2 s6, s17  }
0x35: {  	s17 =	simm.s32 @!p2 $0x1;
	[sflag:s15] =	ssyncadd.s32 @!p0 $0xFFFE7800  }
0x36: {  	[hbm:s20], [sflag:s19] =	dma.local @!p2 [hbm:s18], $0x200  }
0x37: {  	_ =	swait.ge @!p2 [sflag:s17], $0x200  }
.LBB2_2:
0x38: {  	[sflag:s17] =	ssyncset.done @!p2 $0x0  }
0x39: {  	[sflag:s17] =	ssyncadd.s32 @!p2 $0xFFFFFE00  }
0x3a: {  	_ =	sfence.sel $0x180000  }
0x3b: {  	[bflag:$0x0] =	sbarrier.arrive $0xFFFF  }
0x3c: {  	p0 =	sne.s32 s1, $0x0;
	_ =	strace $0x90000047  }
0x3d: {  	s0 =	sadd.s32 @!p0 $0x100000, s0;
	[bflag:$0x2] =	sbarrier.arrive $0xFFFF  }
0x3e: {  	[sflag:s0] =	ssyncadd.tile.s32 @!p0 $0x1;
	_ =	shalt  }
.Lfunc_end2:
_tile_overlayer_lowered:
.L_overlay_start_2:
0x3f: {  	(tag) =	ssettag $0x2  }
0x40: {  	s0 =	rddreg [dreg:$0x0];
	s2 =	stileid.u32  }
0x41: {  	s1 =	rddreg [dreg:$0x1];
	p0 =	sne.s32 s2, $0x0  }
0x42: {  	s3 =	rddreg [dreg:$0x2];
	[bflag:$0x3] =	sbarrier.arrive $0xFFFF;
	s2 =	simm.s32 @!p0 $0x1C01  }
0x43: {  	[timem:s3], [sflag:s2] =	dma.local @!p0 [hbm:s0], s1  }
0x44: {  	s0 =	simm.s32 @!p0 $0x1  }
0x45: {  	_ =	swait.ge @!p0 [sflag:s0], s1  }
0x46: {  	s1 =	ssub.s32 @!p0 $0x0, s1;
	[sflag:s0] =	ssyncset.done @!p0 $0x0  }
0x47: {  	[sflag:s0] =	ssyncadd.s32 @!p0 s1  }
0x48: {  	[bflag:$0x3] =	sbarrier.arrive $0xFFFF  }
0x49: {  	_ =	shalt  }

</sc_bundles>
